<compile_context>
chip_gen: v7x
topology: tpu7x:2x2x1
jax: 0.10.2.dev20260603
libtpu: 0.0.44.dev20260713+nightly
codegen_flags: <defaults>
</compile_context>

<pallas_src>
import functools

import jax
import jax.numpy as jnp
from jax import lax
from jax.experimental import pallas as pl
from jax.experimental.pallas import tpu as pltpu
from jax.experimental.pallas import tpu_sc as plsc

N = 16384
F = 26
V = 100000
D = 64
S = 768

_INFO = plsc.get_sparse_core_info()
_NC = _INFO.num_cores
_NS = _INFO.num_subcores
_NW = _NC * _NS
_CW = N // _NW
_KB = 128
_NK = _CW // _KB
_FP = F // 2


def _gather_body(cat_hbm, tab_hbm, out_hbm, idxb_v, rows_v,
                 gsem0, gsem1, wsem0, wsem1):
    wid = lax.axis_index("s") * _NC + lax.axis_index("c")
    nbase = wid * _CW
    gsems = (gsem0, gsem1)
    wsems = (wsem0, wsem1)

    pltpu.sync_copy(cat_hbm.at[:, pl.ds(nbase, _CW)], idxb_v)

    def pair_step(j, carry):
        cps = ([], [])
        for h in range(2):
            f = j * 2 + h

            @pl.when(j > 0)
            def _():
                pltpu.make_async_copy(
                    out_hbm.at[0, pl.ds(nbase, _CW), pl.ds(0, D)],
                    rows_v.at[h],
                    wsems[h],
                ).wait()

            cps[h].append(pltpu.async_copy(
                tab_hbm.at[f].at[idxb_v.at[f]],
                rows_v.at[h],
                gsems[h],
            ))
        for h in range(2):
            for cp in cps[h]:
                cp.wait()
            pltpu.async_copy(
                rows_v.at[h],
                out_hbm.at[j, pl.ds(nbase, _CW), pl.ds(h * D, D)],
                wsems[h],
            )
        return carry

    lax.fori_loop(0, _FP, pair_step, 0)
    for h in range(2):
        pltpu.make_async_copy(
            out_hbm.at[0, pl.ds(nbase, _CW), pl.ds(0, D)],
            rows_v.at[h],
            wsems[h],
        ).wait()


_gather = functools.partial(
    pl.kernel,
    out_type=jax.ShapeDtypeStruct((_FP, N, 2 * D), jnp.float32),
    mesh=plsc.VectorSubcoreMesh(core_axis_name="c", subcore_axis_name="s"),
    scratch_types=[
        pltpu.VMEM((F, _CW), jnp.int32),
        pltpu.VMEM((2, _CW, D), jnp.float32),
        pltpu.SemaphoreType.DMA,
        pltpu.SemaphoreType.DMA,
        pltpu.SemaphoreType.DMA,
        pltpu.SemaphoreType.DMA,
    ],
    compiler_params=pltpu.CompilerParams(use_tc_tiling_on_sc=False),
)(_gather_body)


_BN = 512


def _proj_body(sent_ref, g_ref, w_ref, b_ref, out_ref, cc_ref):
    for j in range(_FP):
        cc_ref[:, j * 128:(j + 1) * 128] = g_ref[j]
    acc = lax.dot_general(
        cc_ref[...], w_ref[...],
        (((1,), (1,)), ((), ())),
        preferred_element_type=jnp.float32,
    )
    out_ref[:, :S] = sent_ref[...]
    out_ref[:, S:] = acc + b_ref[...]


def _project(sent, g, W, b2):
    return pl.pallas_call(
        _proj_body,
        grid=(N // _BN,),
        in_specs=[
            pl.BlockSpec((_BN, S), lambda i: (i, 0)),
            pl.BlockSpec((_FP, _BN, 2 * D), lambda i: (0, i, 0)),
            pl.BlockSpec((S, F * D), lambda i: (0, 0)),
            pl.BlockSpec((1, S), lambda i: (0, 0)),
        ],
        out_specs=pl.BlockSpec((_BN, 2 * S), lambda i: (i, 0)),
        out_shape=jax.ShapeDtypeStruct((N, 2 * S), jnp.float32),
        scratch_shapes=[pltpu.VMEM((_BN, F * D), jnp.float32)],
    )(sent, g, W, b2)


def kernel(sentence_embeddings, categorical_data, tables, W, b):
    cat = categorical_data.astype(jnp.int32)
    g = _gather(cat, tables)
    return _project(sentence_embeddings, g, W, b.reshape(1, S))

# --- scband reference (transcript-rebuilt; emitter-appended) ---
"""Pipeline reference for scband-feature-aggregator-simple-16767552324254 (READ-ONLY COPY).

The authoritative reference and input builder live on the scoring server;
editing this copy changes nothing except your own understanding.
"""

import jax, jax.numpy as jnp
import numpy as np

N = 16384
F = 26
V = 100000
D = 64
S = 768

def setup_inputs(seed: int = 0) -> dict:
    key = jax.random.key(seed)
    k0, k1, k2, k3 = jax.random.split(key, 4)
    sentence_embeddings = jax.random.normal(k0, (N, S), dtype=jnp.float32)
    categorical_data = jax.random.randint(k1, (F, N), 0, V)
    # stacked embedding tables for the 26 categorical fields (xavier-ish init)
    tables = jax.random.normal(k2, (F, V, D), dtype=jnp.float32) * (np.sqrt(6.0 / (V + D)))
    # projection: Linear(F*D -> S), xavier uniform weight, zero bias
    lim = np.sqrt(6.0 / (F * D + S))
    W = jax.random.uniform(k3, (S, F * D), dtype=jnp.float32, minval=-lim, maxval=lim)
    b = jnp.zeros((S,), dtype=jnp.float32)
    return {"sentence_embeddings": sentence_embeddings, "categorical_data": categorical_data, "tables": tables, "W": W, "b": b}

def reference(sentence_embeddings, categorical_data, tables, W, b):
    # per-field embedding lookup: [F, N, D]
    emb = jax.vmap(lambda t, i: jnp.take(t, i, axis=0))(tables, categorical_data)
    # categorical_weights are all 1.0 by default
    emb = emb * 1.0
    # torch.cat(embedded_cats, dim=1): [N, F*D] in field order
    concatenated_cats = jnp.transpose(emb, (1, 0, 2)).reshape(N, F * D)
    projected_cats = concatenated_cats @ W.T + b
    final_features = jnp.concatenate([sentence_embeddings, projected_cats], axis=1)
    return final_features

if __name__ == "__main__":
    import jax
    _d = setup_inputs()
    print(jax.jit(kernel)(*tuple(_d.values())))

</pallas_src>

<mosaic_0001>
#map = affine_map<(d0, d1) -> (0, 0)>
#map1 = affine_map<(d0, d1) -> (0, 0, 0)>
module attributes {stable_mosaic.version = 14 : i64} {
  func.func @_gather_body(%arg0: i32, %arg1: i32, %arg2: memref<26x16384xi32, #tpu.memory_space<hbm>>, %arg3: memref<26x100000x64xf32, #tpu.memory_space<hbm>>, %arg4: memref<13x16384x128xf32, #tpu.memory_space<hbm>>, %arg5: memref<26x512xi32, #tpu.memory_space<vmem>>, %arg6: memref<2x512x64xf32, #tpu.memory_space<vmem>>, %arg7: memref<!tpu.dma_semaphore, #tpu.memory_space<semaphore_mem>>, %arg8: memref<!tpu.dma_semaphore, #tpu.memory_space<semaphore_mem>>, %arg9: memref<!tpu.dma_semaphore, #tpu.memory_space<semaphore_mem>>, %arg10: memref<!tpu.dma_semaphore, #tpu.memory_space<semaphore_mem>>) attributes {dimension_semantics = [#tpu.dimension_semantics<core_parallel>, #tpu.dimension_semantics<subcore_parallel>], iteration_bounds = array<i64: 2, 16>, scalar_prefetch = 0 : i64, scratch_operands = 6 : i64, tpu.core_type = #tpu.core_type<sc_vector_subcore>, window_params = [{transform_indices = #map}, {transform_indices = #map1}, {transform_indices = #map1}]} {
    %mul3A = arith.constant 2 : i32
    %mul3A_0 = arith.muli %arg1, %mul3A : i32
    %add3A = arith.addi %mul3A_0, %arg0 : i32
    %mul3A_1 = arith.constant 512 : i32
    %mul3A_2 = arith.muli %add3A, %mul3A_1 : i32
    "tpu.region"() ({
      %run_scoped3A = tpu.sem_alloc : memref<!tpu.dma_semaphore, #tpu.memory_space<semaphore_mem>>
      %dma_start3A = arith.constant 0 : i32
      %dma_start3A_39 = tpu.memref_slice %arg2[%dma_start3A, %mul3A_2] : memref<26x16384xi32, #tpu.memory_space<hbm>> -> memref<26x512xi32, #tpu.memory_space<hbm>>
      %dma_start3A_40 = arith.constant 0 : i32
      %dma_start3A_41 = tpu.memref_slice %arg2[%dma_start3A_40, %mul3A_2] : memref<26x16384xi32, #tpu.memory_space<hbm>> -> memref<26x512xi32, #tpu.memory_space<hbm>>
      tpu.enqueue_dma source(%dma_start3A_41 : memref<26x512xi32, #tpu.memory_space<hbm>>) target(%arg5 : memref<26x512xi32, #tpu.memory_space<vmem>>) target_semaphore(%run_scoped3A : memref<!tpu.dma_semaphore, #tpu.memory_space<semaphore_mem>>)
      %dma_wait3A_42 = arith.constant 0 : i32
      %dma_wait3A_43 = tpu.memref_slice %arg2[%dma_wait3A_42, %mul3A_2] : memref<26x16384xi32, #tpu.memory_space<hbm>> -> memref<26x512xi32, #tpu.memory_space<hbm>>
      %dma_wait3A_44 = arith.constant 0 : i32
      %dma_wait3A_45 = tpu.memref_slice %arg2[%dma_wait3A_44, %mul3A_2] : memref<26x16384xi32, #tpu.memory_space<hbm>> -> memref<26x512xi32, #tpu.memory_space<hbm>>
      tpu.wait_dma2 semaphore(%run_scoped3A : memref<!tpu.dma_semaphore, #tpu.memory_space<semaphore_mem>>) src(%dma_wait3A_45 : memref<26x512xi32, #tpu.memory_space<hbm>>) dst(%arg5 : memref<26x512xi32, #tpu.memory_space<vmem>>)
      tpu.yield
    }) : () -> ()
    %scan3A = arith.constant 0 : i32
    %scan3A_3 = arith.constant 0 : i32
    %scan3A_4 = arith.constant 13 : i32
    %scan3A_5 = arith.addi %scan3A_3, %scan3A_4 : i32
    %scan3A_6 = arith.constant 1 : i32
    scf.for %scan3A_39 = %scan3A_3 to %scan3A_5 step %scan3A_6  : i32 {
      %mul3A_40 = arith.constant 2 : i32
      %mul3A_41 = arith.muli %scan3A_39, %mul3A_40 : i32
      %add3A_42 = arith.constant 0 : i32
      %add3A_43 = arith.addi %mul3A_41, %add3A_42 : i32
      %gt3A = arith.constant 0 : i32
      %gt3A_44 = arith.cmpi sgt, %scan3A_39, %gt3A : i32
      %convert_element_type3A = arith.extui %gt3A_44 : i1 to i32
      %cond3A = arith.constant 0 : i32
      %cond3A_45 = arith.cmpi ne, %convert_element_type3A, %cond3A : i32
      scf.if %cond3A_45 {
        %dma_wait3A_144 = arith.constant 0 : i32
        %dma_wait3A_145 = arith.constant 0 : i32
        %dma_wait3A_146 = arith.constant 0 : i32
        %dma_wait3A_147 = arith.constant 0 : i32
        %dma_wait3A_148 = tpu.memref_slice %arg6[%dma_wait3A_145, %dma_wait3A_146, %dma_wait3A_147] : memref<2x512x64xf32, #tpu.memory_space<vmem>> -> memref<1x512x64xf32, #tpu.memory_space<vmem>>
        %dma_wait3A_149 = tpu.memref_squeeze %dma_wait3A_148 : memref<1x512x64xf32, #tpu.memory_space<vmem>> -> memref<512x64xf32, #tpu.memory_space<vmem>>
        %dma_wait3A_150 = arith.constant 0 : i32
        %dma_wait3A_151 = tpu.memref_slice %arg4[%dma_wait3A_144, %mul3A_2, %dma_wait3A_150] : memref<13x16384x128xf32, #tpu.memory_space<hbm>> -> memref<1x512x64xf32, #tpu.memory_space<hbm>>
        %dma_wait3A_152 = tpu.memref_squeeze %dma_wait3A_151 : memref<1x512x64xf32, #tpu.memory_space<hbm>> -> memref<512x64xf32, #tpu.memory_space<hbm>>
        %dma_wait3A_153 = arith.constant 0 : i32
        %dma_wait3A_154 = arith.constant 0 : i32
        %dma_wait3A_155 = tpu.memref_slice %arg6[%dma_wait3A_145, %dma_wait3A_153, %dma_wait3A_154] : memref<2x512x64xf32, #tpu.memory_space<vmem>> -> memref<1x512x64xf32, #tpu.memory_space<vmem>>
        %dma_wait3A_156 = tpu.memref_squeeze %dma_wait3A_155 : memref<1x512x64xf32, #tpu.memory_space<vmem>> -> memref<512x64xf32, #tpu.memory_space<vmem>>
        %dma_wait3A_157 = arith.constant 0 : i32
        %dma_wait3A_158 = tpu.memref_slice %arg4[%dma_wait3A_144, %mul3A_2, %dma_wait3A_157] : memref<13x16384x128xf32, #tpu.memory_space<hbm>> -> memref<1x512x64xf32, #tpu.memory_space<hbm>>
        %dma_wait3A_159 = tpu.memref_squeeze %dma_wait3A_158 : memref<1x512x64xf32, #tpu.memory_space<hbm>> -> memref<512x64xf32, #tpu.memory_space<hbm>>
        tpu.wait_dma2 semaphore(%arg9 : memref<!tpu.dma_semaphore, #tpu.memory_space<semaphore_mem>>) src(%dma_wait3A_159 : memref<512x64xf32, #tpu.memory_space<hbm>>) dst(%dma_wait3A_156 : memref<512x64xf32, #tpu.memory_space<vmem>>)
      } else {
      }
      %dma_start3A = arith.constant 0 : i32
      %dma_start3A_46 = arith.constant 0 : i32
      %dma_start3A_47 = arith.constant 0 : i32
      %dma_start3A_48 = tpu.memref_slice %arg6[%dma_start3A, %dma_start3A_46, %dma_start3A_47] : memref<2x512x64xf32, #tpu.memory_space<vmem>> -> memref<1x512x64xf32, #tpu.memory_space<vmem>>
      %dma_start3A_49 = tpu.memref_squeeze %dma_start3A_48 : memref<1x512x64xf32, #tpu.memory_space<vmem>> -> memref<512x64xf32, #tpu.memory_space<vmem>>
      %dma_start3A_50 = arith.constant 0 : i32
      %dma_start3A_51 = tpu.memref_slice %arg5[%add3A_43, %dma_start3A_50] : memref<26x512xi32, #tpu.memory_space<vmem>> -> memref<1x512xi32, #tpu.memory_space<vmem>>
      %dma_start3A_52 = tpu.memref_squeeze %dma_start3A_51 : memref<1x512xi32, #tpu.memory_space<vmem>> -> memref<512xi32, #tpu.memory_space<vmem>>
      %dma_start3A_53 = arith.constant 0 : i32
      %dma_start3A_54 = arith.constant 0 : i32
      %dma_start3A_55 = tpu.memref_slice %arg3[%add3A_43, %dma_start3A_53, %dma_start3A_54] : memref<26x100000x64xf32, #tpu.memory_space<hbm>> -> memref<1x100000x64xf32, #tpu.memory_space<hbm>>
      %dma_start3A_56 = tpu.memref_squeeze %dma_start3A_55 : memref<1x100000x64xf32, #tpu.memory_space<hbm>> -> memref<100000x64xf32, #tpu.memory_space<hbm>>
      %dma_start3A_57 = arith.constant 0 : i32
      %dma_start3A_58 = arith.constant 0 : i32
      %dma_start3A_59 = tpu.memref_slice %dma_start3A_56[%dma_start3A_57, %dma_start3A_58] : memref<100000x64xf32, #tpu.memory_space<hbm>> -> memref<100000x64xf32, #tpu.memory_space<hbm>>
      tpu.enqueue_indirect_dma source(%dma_start3A_59 : memref<100000x64xf32, #tpu.memory_space<hbm>>) target(%dma_start3A_49 : memref<512x64xf32, #tpu.memory_space<vmem>>) offsets(%dma_start3A_52 : memref<512xi32, #tpu.memory_space<vmem>>) semaphore(%arg7 : memref<!tpu.dma_semaphore, #tpu.memory_space<semaphore_mem>>)
      %mul3A_60 = arith.constant 2 : i32
      %mul3A_61 = arith.muli %scan3A_39, %mul3A_60 : i32
      %add3A_62 = arith.constant 1 : i32
      %add3A_63 = arith.addi %mul3A_61, %add3A_62 : i32
      %gt3A_64 = arith.constant 0 : i32
      %gt3A_65 = arith.cmpi sgt, %scan3A_39, %gt3A_64 : i32
      %convert_element_type3A_66 = arith.extui %gt3A_65 : i1 to i32
      %cond3A_67 = arith.constant 0 : i32
      %cond3A_68 = arith.cmpi ne, %convert_element_type3A_66, %cond3A_67 : i32
      scf.if %cond3A_68 {
        %dma_wait3A_144 = arith.constant 0 : i32
        %dma_wait3A_145 = arith.constant 1 : i32
        %dma_wait3A_146 = arith.constant 0 : i32
        %dma_wait3A_147 = arith.constant 0 : i32
        %dma_wait3A_148 = tpu.memref_slice %arg6[%dma_wait3A_145, %dma_wait3A_146, %dma_wait3A_147] : memref<2x512x64xf32, #tpu.memory_space<vmem>> -> memref<1x512x64xf32, #tpu.memory_space<vmem>>
        %dma_wait3A_149 = tpu.memref_squeeze %dma_wait3A_148 : memref<1x512x64xf32, #tpu.memory_space<vmem>> -> memref<512x64xf32, #tpu.memory_space<vmem>>
        %dma_wait3A_150 = arith.constant 0 : i32
        %dma_wait3A_151 = tpu.memref_slice %arg4[%dma_wait3A_144, %mul3A_2, %dma_wait3A_150] : memref<13x16384x128xf32, #tpu.memory_space<hbm>> -> memref<1x512x64xf32, #tpu.memory_space<hbm>>
        %dma_wait3A_152 = tpu.memref_squeeze %dma_wait3A_151 : memref<1x512x64xf32, #tpu.memory_space<hbm>> -> memref<512x64xf32, #tpu.memory_space<hbm>>
        %dma_wait3A_153 = arith.constant 0 : i32
        %dma_wait3A_154 = arith.constant 0 : i32
        %dma_wait3A_155 = tpu.memref_slice %arg6[%dma_wait3A_145, %dma_wait3A_153, %dma_wait3A_154] : memref<2x512x64xf32, #tpu.memory_space<vmem>> -> memref<1x512x64xf32, #tpu.memory_space<vmem>>
        %dma_wait3A_156 = tpu.memref_squeeze %dma_wait3A_155 : memref<1x512x64xf32, #tpu.memory_space<vmem>> -> memref<512x64xf32, #tpu.memory_space<vmem>>
        %dma_wait3A_157 = arith.constant 0 : i32
        %dma_wait3A_158 = tpu.memref_slice %arg4[%dma_wait3A_144, %mul3A_2, %dma_wait3A_157] : memref<13x16384x128xf32, #tpu.memory_space<hbm>> -> memref<1x512x64xf32, #tpu.memory_space<hbm>>
        %dma_wait3A_159 = tpu.memref_squeeze %dma_wait3A_158 : memref<1x512x64xf32, #tpu.memory_space<hbm>> -> memref<512x64xf32, #tpu.memory_space<hbm>>
        tpu.wait_dma2 semaphore(%arg10 : memref<!tpu.dma_semaphore, #tpu.memory_space<semaphore_mem>>) src(%dma_wait3A_159 : memref<512x64xf32, #tpu.memory_space<hbm>>) dst(%dma_wait3A_156 : memref<512x64xf32, #tpu.memory_space<vmem>>)
      } else {
      }
      %dma_start3A_69 = arith.constant 1 : i32
      %dma_start3A_70 = arith.constant 0 : i32
      %dma_start3A_71 = arith.constant 0 : i32
      %dma_start3A_72 = tpu.memref_slice %arg6[%dma_start3A_69, %dma_start3A_70, %dma_start3A_71] : memref<2x512x64xf32, #tpu.memory_space<vmem>> -> memref<1x512x64xf32, #tpu.memory_space<vmem>>
      %dma_start3A_73 = tpu.memref_squeeze %dma_start3A_72 : memref<1x512x64xf32, #tpu.memory_space<vmem>> -> memref<512x64xf32, #tpu.memory_space<vmem>>
      %dma_start3A_74 = arith.constant 0 : i32
      %dma_start3A_75 = tpu.memref_slice %arg5[%add3A_63, %dma_start3A_74] : memref<26x512xi32, #tpu.memory_space<vmem>> -> memref<1x512xi32, #tpu.memory_space<vmem>>
      %dma_start3A_76 = tpu.memref_squeeze %dma_start3A_75 : memref<1x512xi32, #tpu.memory_space<vmem>> -> memref<512xi32, #tpu.memory_space<vmem>>
      %dma_start3A_77 = arith.constant 0 : i32
      %dma_start3A_78 = arith.constant 0 : i32
      %dma_start3A_79 = tpu.memref_slice %arg3[%add3A_63, %dma_start3A_77, %dma_start3A_78] : memref<26x100000x64xf32, #tpu.memory_space<hbm>> -> memref<1x100000x64xf32, #tpu.memory_space<hbm>>
      %dma_start3A_80 = tpu.memref_squeeze %dma_start3A_79 : memref<1x100000x64xf32, #tpu.memory_space<hbm>> -> memref<100000x64xf32, #tpu.memory_space<hbm>>
      %dma_start3A_81 = arith.constant 0 : i32
      %dma_start3A_82 = arith.constant 0 : i32
      %dma_start3A_83 = tpu.memref_slice %dma_start3A_80[%dma_start3A_81, %dma_start3A_82] : memref<100000x64xf32, #tpu.memory_space<hbm>> -> memref<100000x64xf32, #tpu.memory_space<hbm>>
      tpu.enqueue_indirect_dma source(%dma_start3A_83 : memref<100000x64xf32, #tpu.memory_space<hbm>>) target(%dma_start3A_73 : memref<512x64xf32, #tpu.memory_space<vmem>>) offsets(%dma_start3A_76 : memref<512xi32, #tpu.memory_space<vmem>>) semaphore(%arg8 : memref<!tpu.dma_semaphore, #tpu.memory_space<semaphore_mem>>)
      %dma_wait3A_84 = arith.constant 0 : i32
      %dma_wait3A_85 = arith.constant 0 : i32
      %dma_wait3A_86 = arith.constant 0 : i32
      %dma_wait3A_87 = tpu.memref_slice %arg6[%dma_wait3A_84, %dma_wait3A_85, %dma_wait3A_86] : memref<2x512x64xf32, #tpu.memory_space<vmem>> -> memref<1x512x64xf32, #tpu.memory_space<vmem>>
      %dma_wait3A_88 = tpu.memref_squeeze %dma_wait3A_87 : memref<1x512x64xf32, #tpu.memory_space<vmem>> -> memref<512x64xf32, #tpu.memory_space<vmem>>
      %dma_wait3A_89 = arith.constant 0 : i32
      %dma_wait3A_90 = tpu.memref_slice %arg5[%add3A_43, %dma_wait3A_89] : memref<26x512xi32, #tpu.memory_space<vmem>> -> memref<1x512xi32, #tpu.memory_space<vmem>>
      %dma_wait3A_91 = tpu.memref_squeeze %dma_wait3A_90 : memref<1x512xi32, #tpu.memory_space<vmem>> -> memref<512xi32, #tpu.memory_space<vmem>>
      %dma_wait3A_92 = arith.constant 0 : i32
      %dma_wait3A_93 = arith.constant 0 : i32
      %dma_wait3A_94 = tpu.memref_slice %arg3[%add3A_43, %dma_wait3A_92, %dma_wait3A_93] : memref<26x100000x64xf32, #tpu.memory_space<hbm>> -> memref<1x100000x64xf32, #tpu.memory_space<hbm>>
      %dma_wait3A_95 = tpu.memref_squeeze %dma_wait3A_94 : memref<1x100000x64xf32, #tpu.memory_space<hbm>> -> memref<100000x64xf32, #tpu.memory_space<hbm>>
      %dma_wait3A_96 = arith.constant 0 : i32
      %dma_wait3A_97 = arith.constant 0 : i32
      %dma_wait3A_98 = tpu.memref_slice %dma_wait3A_95[%dma_wait3A_96, %dma_wait3A_97] : memref<100000x64xf32, #tpu.memory_space<hbm>> -> memref<100000x64xf32, #tpu.memory_space<hbm>>
      tpu.wait_indirect_dma semaphore(%arg7 : memref<!tpu.dma_semaphore, #tpu.memory_space<semaphore_mem>>) src(%dma_wait3A_98 : memref<100000x64xf32, #tpu.memory_space<hbm>>) dst(%dma_wait3A_88 : memref<512x64xf32, #tpu.memory_space<vmem>>)
      %dma_start3A_99 = arith.constant 0 : i32
      %dma_start3A_100 = arith.constant 0 : i32
      %dma_start3A_101 = arith.constant 0 : i32
      %dma_start3A_102 = tpu.memref_slice %arg6[%dma_start3A_99, %dma_start3A_100, %dma_start3A_101] : memref<2x512x64xf32, #tpu.memory_space<vmem>> -> memref<1x512x64xf32, #tpu.memory_space<vmem>>
      %dma_start3A_103 = tpu.memref_squeeze %dma_start3A_102 : memref<1x512x64xf32, #tpu.memory_space<vmem>> -> memref<512x64xf32, #tpu.memory_space<vmem>>
      %dma_start3A_104 = arith.constant 0 : i32
      %dma_start3A_105 = tpu.memref_slice %arg4[%scan3A_39, %mul3A_2, %dma_start3A_104] : memref<13x16384x128xf32, #tpu.memory_space<hbm>> -> memref<1x512x64xf32, #tpu.memory_space<hbm>>
      %dma_start3A_106 = tpu.memref_squeeze %dma_start3A_105 : memref<1x512x64xf32, #tpu.memory_space<hbm>> -> memref<512x64xf32, #tpu.memory_space<hbm>>
      %dma_start3A_107 = arith.constant 0 : i32
      %dma_start3A_108 = tpu.memref_slice %arg4[%scan3A_39, %mul3A_2, %dma_start3A_107] : memref<13x16384x128xf32, #tpu.memory_space<hbm>> -> memref<1x512x64xf32, #tpu.memory_space<hbm>>
      %dma_start3A_109 = tpu.memref_squeeze %dma_start3A_108 : memref<1x512x64xf32, #tpu.memory_space<hbm>> -> memref<512x64xf32, #tpu.memory_space<hbm>>
      %dma_start3A_110 = arith.constant 0 : i32
      %dma_start3A_111 = arith.constant 0 : i32
      %dma_start3A_112 = tpu.memref_slice %arg6[%dma_start3A_99, %dma_start3A_110, %dma_start3A_111] : memref<2x512x64xf32, #tpu.memory_space<vmem>> -> memref<1x512x64xf32, #tpu.memory_space<vmem>>
      %dma_start3A_113 = tpu.memref_squeeze %dma_start3A_112 : memref<1x512x64xf32, #tpu.memory_space<vmem>> -> memref<512x64xf32, #tpu.memory_space<vmem>>
      tpu.enqueue_dma source(%dma_start3A_113 : memref<512x64xf32, #tpu.memory_space<vmem>>) target(%dma_start3A_109 : memref<512x64xf32, #tpu.memory_space<hbm>>) target_semaphore(%arg9 : memref<!tpu.dma_semaphore, #tpu.memory_space<semaphore_mem>>)
      %dma_wait3A_114 = arith.constant 1 : i32
      %dma_wait3A_115 = arith.constant 0 : i32
      %dma_wait3A_116 = arith.constant 0 : i32
      %dma_wait3A_117 = tpu.memref_slice %arg6[%dma_wait3A_114, %dma_wait3A_115, %dma_wait3A_116] : memref<2x512x64xf32, #tpu.memory_space<vmem>> -> memref<1x512x64xf32, #tpu.memory_space<vmem>>
      %dma_wait3A_118 = tpu.memref_squeeze %dma_wait3A_117 : memref<1x512x64xf32, #tpu.memory_space<vmem>> -> memref<512x64xf32, #tpu.memory_space<vmem>>
      %dma_wait3A_119 = arith.constant 0 : i32
      %dma_wait3A_120 = tpu.memref_slice %arg5[%add3A_63, %dma_wait3A_119] : memref<26x512xi32, #tpu.memory_space<vmem>> -> memref<1x512xi32, #tpu.memory_space<vmem>>
      %dma_wait3A_121 = tpu.memref_squeeze %dma_wait3A_120 : memref<1x512xi32, #tpu.memory_space<vmem>> -> memref<512xi32, #tpu.memory_space<vmem>>
      %dma_wait3A_122 = arith.constant 0 : i32
      %dma_wait3A_123 = arith.constant 0 : i32
      %dma_wait3A_124 = tpu.memref_slice %arg3[%add3A_63, %dma_wait3A_122, %dma_wait3A_123] : memref<26x100000x64xf32, #tpu.memory_space<hbm>> -> memref<1x100000x64xf32, #tpu.memory_space<hbm>>
      %dma_wait3A_125 = tpu.memref_squeeze %dma_wait3A_124 : memref<1x100000x64xf32, #tpu.memory_space<hbm>> -> memref<100000x64xf32, #tpu.memory_space<hbm>>
      %dma_wait3A_126 = arith.constant 0 : i32
      %dma_wait3A_127 = arith.constant 0 : i32
      %dma_wait3A_128 = tpu.memref_slice %dma_wait3A_125[%dma_wait3A_126, %dma_wait3A_127] : memref<100000x64xf32, #tpu.memory_space<hbm>> -> memref<100000x64xf32, #tpu.memory_space<hbm>>
      tpu.wait_indirect_dma semaphore(%arg8 : memref<!tpu.dma_semaphore, #tpu.memory_space<semaphore_mem>>) src(%dma_wait3A_128 : memref<100000x64xf32, #tpu.memory_space<hbm>>) dst(%dma_wait3A_118 : memref<512x64xf32, #tpu.memory_space<vmem>>)
      %dma_start3A_129 = arith.constant 1 : i32
      %dma_start3A_130 = arith.constant 0 : i32
      %dma_start3A_131 = arith.constant 0 : i32
      %dma_start3A_132 = tpu.memref_slice %arg6[%dma_start3A_129, %dma_start3A_130, %dma_start3A_131] : memref<2x512x64xf32, #tpu.memory_space<vmem>> -> memref<1x512x64xf32, #tpu.memory_space<vmem>>
      %dma_start3A_133 = tpu.memref_squeeze %dma_start3A_132 : memref<1x512x64xf32, #tpu.memory_space<vmem>> -> memref<512x64xf32, #tpu.memory_space<vmem>>
      %dma_start3A_134 = arith.constant 64 : i32
      %dma_start3A_135 = tpu.memref_slice %arg4[%scan3A_39, %mul3A_2, %dma_start3A_134] : memref<13x16384x128xf32, #tpu.memory_space<hbm>> -> memref<1x512x64xf32, #tpu.memory_space<hbm>>
      %dma_start3A_136 = tpu.memref_squeeze %dma_start3A_135 : memref<1x512x64xf32, #tpu.memory_space<hbm>> -> memref<512x64xf32, #tpu.memory_space<hbm>>
      %dma_start3A_137 = arith.constant 64 : i32
      %dma_start3A_138 = tpu.memref_slice %arg4[%scan3A_39, %mul3A_2, %dma_start3A_137] : memref<13x16384x128xf32, #tpu.memory_space<hbm>> -> memref<1x512x64xf32, #tpu.memory_space<hbm>>
      %dma_start3A_139 = tpu.memref_squeeze %dma_start3A_138 : memref<1x512x64xf32, #tpu.memory_space<hbm>> -> memref<512x64xf32, #tpu.memory_space<hbm>>
      %dma_start3A_140 = arith.constant 0 : i32
      %dma_start3A_141 = arith.constant 0 : i32
      %dma_start3A_142 = tpu.memref_slice %arg6[%dma_start3A_129, %dma_start3A_140, %dma_start3A_141] : memref<2x512x64xf32, #tpu.memory_space<vmem>> -> memref<1x512x64xf32, #tpu.memory_space<vmem>>
      %dma_start3A_143 = tpu.memref_squeeze %dma_start3A_142 : memref<1x512x64xf32, #tpu.memory_space<vmem>> -> memref<512x64xf32, #tpu.memory_space<vmem>>
      tpu.enqueue_dma source(%dma_start3A_143 : memref<512x64xf32, #tpu.memory_space<vmem>>) target(%dma_start3A_139 : memref<512x64xf32, #tpu.memory_space<hbm>>) target_semaphore(%arg10 : memref<!tpu.dma_semaphore, #tpu.memory_space<semaphore_mem>>)
    }
    %scan3A_7 = arith.constant 13 : i32
    %dma_wait3A = arith.constant 0 : i32
    %dma_wait3A_8 = arith.constant 0 : i32
    %dma_wait3A_9 = arith.constant 0 : i32
    %dma_wait3A_10 = arith.constant 0 : i32
    %dma_wait3A_11 = tpu.memref_slice %arg6[%dma_wait3A_8, %dma_wait3A_9, %dma_wait3A_10] : memref<2x512x64xf32, #tpu.memory_space<vmem>> -> memref<1x512x64xf32, #tpu.memory_space<vmem>>
    %dma_wait3A_12 = tpu.memref_squeeze %dma_wait3A_11 : memref<1x512x64xf32, #tpu.memory_space<vmem>> -> memref<512x64xf32, #tpu.memory_space<vmem>>
    %dma_wait3A_13 = arith.constant 0 : i32
    %dma_wait3A_14 = tpu.memref_slice %arg4[%dma_wait3A, %mul3A_2, %dma_wait3A_13] : memref<13x16384x128xf32, #tpu.memory_space<hbm>> -> memref<1x512x64xf32, #tpu.memory_space<hbm>>
    %dma_wait3A_15 = tpu.memref_squeeze %dma_wait3A_14 : memref<1x512x64xf32, #tpu.memory_space<hbm>> -> memref<512x64xf32, #tpu.memory_space<hbm>>
    %dma_wait3A_16 = arith.constant 0 : i32
    %dma_wait3A_17 = arith.constant 0 : i32
    %dma_wait3A_18 = tpu.memref_slice %arg6[%dma_wait3A_8, %dma_wait3A_16, %dma_wait3A_17] : memref<2x512x64xf32, #tpu.memory_space<vmem>> -> memref<1x512x64xf32, #tpu.memory_space<vmem>>
    %dma_wait3A_19 = tpu.memref_squeeze %dma_wait3A_18 : memref<1x512x64xf32, #tpu.memory_space<vmem>> -> memref<512x64xf32, #tpu.memory_space<vmem>>
    %dma_wait3A_20 = arith.constant 0 : i32
    %dma_wait3A_21 = tpu.memref_slice %arg4[%dma_wait3A, %mul3A_2, %dma_wait3A_20] : memref<13x16384x128xf32, #tpu.memory_space<hbm>> -> memref<1x512x64xf32, #tpu.memory_space<hbm>>
    %dma_wait3A_22 = tpu.memref_squeeze %dma_wait3A_21 : memref<1x512x64xf32, #tpu.memory_space<hbm>> -> memref<512x64xf32, #tpu.memory_space<hbm>>
    tpu.wait_dma2 semaphore(%arg9 : memref<!tpu.dma_semaphore, #tpu.memory_space<semaphore_mem>>) src(%dma_wait3A_22 : memref<512x64xf32, #tpu.memory_space<hbm>>) dst(%dma_wait3A_19 : memref<512x64xf32, #tpu.memory_space<vmem>>)
    %dma_wait3A_23 = arith.constant 0 : i32
    %dma_wait3A_24 = arith.constant 1 : i32
    %dma_wait3A_25 = arith.constant 0 : i32
    %dma_wait3A_26 = arith.constant 0 : i32
    %dma_wait3A_27 = tpu.memref_slice %arg6[%dma_wait3A_24, %dma_wait3A_25, %dma_wait3A_26] : memref<2x512x64xf32, #tpu.memory_space<vmem>> -> memref<1x512x64xf32, #tpu.memory_space<vmem>>
    %dma_wait3A_28 = tpu.memref_squeeze %dma_wait3A_27 : memref<1x512x64xf32, #tpu.memory_space<vmem>> -> memref<512x64xf32, #tpu.memory_space<vmem>>
    %dma_wait3A_29 = arith.constant 0 : i32
    %dma_wait3A_30 = tpu.memref_slice %arg4[%dma_wait3A_23, %mul3A_2, %dma_wait3A_29] : memref<13x16384x128xf32, #tpu.memory_space<hbm>> -> memref<1x512x64xf32, #tpu.memory_space<hbm>>
    %dma_wait3A_31 = tpu.memref_squeeze %dma_wait3A_30 : memref<1x512x64xf32, #tpu.memory_space<hbm>> -> memref<512x64xf32, #tpu.memory_space<hbm>>
    %dma_wait3A_32 = arith.constant 0 : i32
    %dma_wait3A_33 = arith.constant 0 : i32
    %dma_wait3A_34 = tpu.memref_slice %arg6[%dma_wait3A_24, %dma_wait3A_32, %dma_wait3A_33] : memref<2x512x64xf32, #tpu.memory_space<vmem>> -> memref<1x512x64xf32, #tpu.memory_space<vmem>>
    %dma_wait3A_35 = tpu.memref_squeeze %dma_wait3A_34 : memref<1x512x64xf32, #tpu.memory_space<vmem>> -> memref<512x64xf32, #tpu.memory_space<vmem>>
    %dma_wait3A_36 = arith.constant 0 : i32
    %dma_wait3A_37 = tpu.memref_slice %arg4[%dma_wait3A_23, %mul3A_2, %dma_wait3A_36] : memref<13x16384x128xf32, #tpu.memory_space<hbm>> -> memref<1x512x64xf32, #tpu.memory_space<hbm>>
    %dma_wait3A_38 = tpu.memref_squeeze %dma_wait3A_37 : memref<1x512x64xf32, #tpu.memory_space<hbm>> -> memref<512x64xf32, #tpu.memory_space<hbm>>
    tpu.wait_dma2 semaphore(%arg10 : memref<!tpu.dma_semaphore, #tpu.memory_space<semaphore_mem>>) src(%dma_wait3A_38 : memref<512x64xf32, #tpu.memory_space<hbm>>) dst(%dma_wait3A_35 : memref<512x64xf32, #tpu.memory_space<vmem>>)
    return
  }
}

module attributes {stable_mosaic.version = 14 : i64} {
  func.func @_proj_body(%arg0: i32, %arg1: memref<512x768xf32, #tpu.memory_space<vmem>>, %arg2: memref<13x512x128xf32, #tpu.memory_space<vmem>>, %arg3: memref<768x1664xf32, #tpu.memory_space<vmem>>, %arg4: memref<1x768xf32, #tpu.memory_space<vmem>>, %arg5: memref<512x1536xf32, #tpu.memory_space<vmem>>, %arg6: memref<512x1664xf32, #tpu.memory_space<vmem>>) attributes {dimension_semantics = [#tpu.dimension_semantics<arbitrary>], iteration_bounds = array<i64: 32>, scalar_prefetch = 0 : i64, scratch_operands = 1 : i64, tpu.core_type = #tpu.core_type<tc>, window_params = [{transform_indices = @transform_0, window_bounds = array<i64: 512, 768>}, {transform_indices = @transform_1, window_bounds = array<i64: 13, 512, 128>}, {pipeline_mode = #tpu.pipeline_mode<synchronous>, transform_indices = @transform_2, window_bounds = array<i64: 768, 1664>}, {pipeline_mode = #tpu.pipeline_mode<synchronous>, transform_indices = @transform_3, window_bounds = array<i64: 1, 768>}, {transform_indices = @transform_4, window_bounds = array<i64: 512, 1536>}]} {
    %get3A = arith.constant 0 : index
    %get3A_0 = arith.constant 0 : index
    %get3A_1 = arith.constant 0 : index
    %get3A_2 = vector.load %arg2[%get3A, %get3A_0, %get3A_1] : memref<13x512x128xf32, #tpu.memory_space<vmem>>, vector<1x512x128xf32>
    %get3A_3 = vector.shape_cast %get3A_2 : vector<1x512x128xf32> to vector<512x128xf32>
    %swap3A = arith.constant 0 : index
    %swap3A_4 = arith.constant 0 : index
    %swap3A_5 = vector.load %arg6[%swap3A, %swap3A_4] : memref<512x1664xf32, #tpu.memory_space<vmem>>, vector<512x128xf32>
    tpu.vector_store %arg6[%swap3A, %swap3A_4], %get3A_3 {strides = array<i32>} : memref<512x1664xf32, #tpu.memory_space<vmem>>, vector<512x128xf32>,
    %get3A_6 = arith.constant 1 : index
    %get3A_7 = arith.constant 0 : index
    %get3A_8 = arith.constant 0 : index
    %get3A_9 = vector.load %arg2[%get3A_6, %get3A_7, %get3A_8] : memref<13x512x128xf32, #tpu.memory_space<vmem>>, vector<1x512x128xf32>
    %get3A_10 = vector.shape_cast %get3A_9 : vector<1x512x128xf32> to vector<512x128xf32>
    %swap3A_11 = arith.constant 0 : index
    %swap3A_12 = arith.constant 128 : index
    %swap3A_13 = vector.load %arg6[%swap3A_11, %swap3A_12] : memref<512x1664xf32, #tpu.memory_space<vmem>>, vector<512x128xf32>
    tpu.vector_store %arg6[%swap3A_11, %swap3A_12], %get3A_10 {strides = array<i32>} : memref<512x1664xf32, #tpu.memory_space<vmem>>, vector<512x128xf32>,
    %get3A_14 = arith.constant 2 : index
    %get3A_15 = arith.constant 0 : index
    %get3A_16 = arith.constant 0 : index
    %get3A_17 = vector.load %arg2[%get3A_14, %get3A_15, %get3A_16] : memref<13x512x128xf32, #tpu.memory_space<vmem>>, vector<1x512x128xf32>
    %get3A_18 = vector.shape_cast %get3A_17 : vector<1x512x128xf32> to vector<512x128xf32>
    %swap3A_19 = arith.constant 0 : index
    %swap3A_20 = arith.constant 256 : index
    %swap3A_21 = vector.load %arg6[%swap3A_19, %swap3A_20] : memref<512x1664xf32, #tpu.memory_space<vmem>>, vector<512x128xf32>
    tpu.vector_store %arg6[%swap3A_19, %swap3A_20], %get3A_18 {strides = array<i32>} : memref<512x1664xf32, #tpu.memory_space<vmem>>, vector<512x128xf32>,
    %get3A_22 = arith.constant 3 : index
    %get3A_23 = arith.constant 0 : index
    %get3A_24 = arith.constant 0 : index
    %get3A_25 = vector.load %arg2[%get3A_22, %get3A_23, %get3A_24] : memref<13x512x128xf32, #tpu.memory_space<vmem>>, vector<1x512x128xf32>
    %get3A_26 = vector.shape_cast %get3A_25 : vector<1x512x128xf32> to vector<512x128xf32>
    %swap3A_27 = arith.constant 0 : index
    %swap3A_28 = arith.constant 384 : index
    %swap3A_29 = vector.load %arg6[%swap3A_27, %swap3A_28] : memref<512x1664xf32, #tpu.memory_space<vmem>>, vector<512x128xf32>
    tpu.vector_store %arg6[%swap3A_27, %swap3A_28], %get3A_26 {strides = array<i32>} : memref<512x1664xf32, #tpu.memory_space<vmem>>, vector<512x128xf32>,
    %get3A_30 = arith.constant 4 : index
    %get3A_31 = arith.constant 0 : index
    %get3A_32 = arith.constant 0 : index
    %get3A_33 = vector.load %arg2[%get3A_30, %get3A_31, %get3A_32] : memref<13x512x128xf32, #tpu.memory_space<vmem>>, vector<1x512x128xf32>
    %get3A_34 = vector.shape_cast %get3A_33 : vector<1x512x128xf32> to vector<512x128xf32>
    %swap3A_35 = arith.constant 0 : index
    %swap3A_36 = arith.constant 512 : index
    %swap3A_37 = vector.load %arg6[%swap3A_35, %swap3A_36] : memref<512x1664xf32, #tpu.memory_space<vmem>>, vector<512x128xf32>
    tpu.vector_store %arg6[%swap3A_35, %swap3A_36], %get3A_34 {strides = array<i32>} : memref<512x1664xf32, #tpu.memory_space<vmem>>, vector<512x128xf32>,
    %get3A_38 = arith.constant 5 : index
    %get3A_39 = arith.constant 0 : index
    %get3A_40 = arith.constant 0 : index
    %get3A_41 = vector.load %arg2[%get3A_38, %get3A_39, %get3A_40] : memref<13x512x128xf32, #tpu.memory_space<vmem>>, vector<1x512x128xf32>
    %get3A_42 = vector.shape_cast %get3A_41 : vector<1x512x128xf32> to vector<512x128xf32>
    %swap3A_43 = arith.constant 0 : index
    %swap3A_44 = arith.constant 640 : index
    %swap3A_45 = vector.load %arg6[%swap3A_43, %swap3A_44] : memref<512x1664xf32, #tpu.memory_space<vmem>>, vector<512x128xf32>
    tpu.vector_store %arg6[%swap3A_43, %swap3A_44], %get3A_42 {strides = array<i32>} : memref<512x1664xf32, #tpu.memory_space<vmem>>, vector<512x128xf32>,
    %get3A_46 = arith.constant 6 : index
    %get3A_47 = arith.constant 0 : index
    %get3A_48 = arith.constant 0 : index
    %get3A_49 = vector.load %arg2[%get3A_46, %get3A_47, %get3A_48] : memref<13x512x128xf32, #tpu.memory_space<vmem>>, vector<1x512x128xf32>
    %get3A_50 = vector.shape_cast %get3A_49 : vector<1x512x128xf32> to vector<512x128xf32>
    %swap3A_51 = arith.constant 0 : index
    %swap3A_52 = arith.constant 768 : index
    %swap3A_53 = vector.load %arg6[%swap3A_51, %swap3A_52] : memref<512x1664xf32, #tpu.memory_space<vmem>>, vector<512x128xf32>
    tpu.vector_store %arg6[%swap3A_51, %swap3A_52], %get3A_50 {strides = array<i32>} : memref<512x1664xf32, #tpu.memory_space<vmem>>, vector<512x128xf32>,
    %get3A_54 = arith.constant 7 : index
    %get3A_55 = arith.constant 0 : index
    %get3A_56 = arith.constant 0 : index
    %get3A_57 = vector.load %arg2[%get3A_54, %get3A_55, %get3A_56] : memref<13x512x128xf32, #tpu.memory_space<vmem>>, vector<1x512x128xf32>
    %get3A_58 = vector.shape_cast %get3A_57 : vector<1x512x128xf32> to vector<512x128xf32>
    %swap3A_59 = arith.constant 0 : index
    %swap3A_60 = arith.constant 896 : index
    %swap3A_61 = vector.load %arg6[%swap3A_59, %swap3A_60] : memref<512x1664xf32, #tpu.memory_space<vmem>>, vector<512x128xf32>
    tpu.vector_store %arg6[%swap3A_59, %swap3A_60], %get3A_58 {strides = array<i32>} : memref<512x1664xf32, #tpu.memory_space<vmem>>, vector<512x128xf32>,
    %get3A_62 = arith.constant 8 : index
    %get3A_63 = arith.constant 0 : index
    %get3A_64 = arith.constant 0 : index
    %get3A_65 = vector.load %arg2[%get3A_62, %get3A_63, %get3A_64] : memref<13x512x128xf32, #tpu.memory_space<vmem>>, vector<1x512x128xf32>
    %get3A_66 = vector.shape_cast %get3A_65 : vector<1x512x128xf32> to vector<512x128xf32>
    %swap3A_67 = arith.constant 0 : index
    %swap3A_68 = arith.constant 1024 : index
    %swap3A_69 = vector.load %arg6[%swap3A_67, %swap3A_68] : memref<512x1664xf32, #tpu.memory_space<vmem>>, vector<512x128xf32>
    tpu.vector_store %arg6[%swap3A_67, %swap3A_68], %get3A_66 {strides = array<i32>} : memref<512x1664xf32, #tpu.memory_space<vmem>>, vector<512x128xf32>,
    %get3A_70 = arith.constant 9 : index
    %get3A_71 = arith.constant 0 : index
    %get3A_72 = arith.constant 0 : index
    %get3A_73 = vector.load %arg2[%get3A_70, %get3A_71, %get3A_72] : memref<13x512x128xf32, #tpu.memory_space<vmem>>, vector<1x512x128xf32>
    %get3A_74 = vector.shape_cast %get3A_73 : vector<1x512x128xf32> to vector<512x128xf32>
    %swap3A_75 = arith.constant 0 : index
    %swap3A_76 = arith.constant 1152 : index
    %swap3A_77 = vector.load %arg6[%swap3A_75, %swap3A_76] : memref<512x1664xf32, #tpu.memory_space<vmem>>, vector<512x128xf32>
    tpu.vector_store %arg6[%swap3A_75, %swap3A_76], %get3A_74 {strides = array<i32>} : memref<512x1664xf32, #tpu.memory_space<vmem>>, vector<512x128xf32>,
    %get3A_78 = arith.constant 10 : index
    %get3A_79 = arith.constant 0 : index
    %get3A_80 = arith.constant 0 : index
    %get3A_81 = vector.load %arg2[%get3A_78, %get3A_79, %get3A_80] : memref<13x512x128xf32, #tpu.memory_space<vmem>>, vector<1x512x128xf32>
    %get3A_82 = vector.shape_cast %get3A_81 : vector<1x512x128xf32> to vector<512x128xf32>
    %swap3A_83 = arith.constant 0 : index
    %swap3A_84 = arith.constant 1280 : index
    %swap3A_85 = vector.load %arg6[%swap3A_83, %swap3A_84] : memref<512x1664xf32, #tpu.memory_space<vmem>>, vector<512x128xf32>
    tpu.vector_store %arg6[%swap3A_83, %swap3A_84], %get3A_82 {strides = array<i32>} : memref<512x1664xf32, #tpu.memory_space<vmem>>, vector<512x128xf32>,
    %get3A_86 = arith.constant 11 : index
    %get3A_87 = arith.constant 0 : index
    %get3A_88 = arith.constant 0 : index
    %get3A_89 = vector.load %arg2[%get3A_86, %get3A_87, %get3A_88] : memref<13x512x128xf32, #tpu.memory_space<vmem>>, vector<1x512x128xf32>
    %get3A_90 = vector.shape_cast %get3A_89 : vector<1x512x128xf32> to vector<512x128xf32>
    %swap3A_91 = arith.constant 0 : index
    %swap3A_92 = arith.constant 1408 : index
    %swap3A_93 = vector.load %arg6[%swap3A_91, %swap3A_92] : memref<512x1664xf32, #tpu.memory_space<vmem>>, vector<512x128xf32>
    tpu.vector_store %arg6[%swap3A_91, %swap3A_92], %get3A_90 {strides = array<i32>} : memref<512x1664xf32, #tpu.memory_space<vmem>>, vector<512x128xf32>,
    %get3A_94 = arith.constant 12 : index
    %get3A_95 = arith.constant 0 : index
    %get3A_96 = arith.constant 0 : index
    %get3A_97 = vector.load %arg2[%get3A_94, %get3A_95, %get3A_96] : memref<13x512x128xf32, #tpu.memory_space<vmem>>, vector<1x512x128xf32>
    %get3A_98 = vector.shape_cast %get3A_97 : vector<1x512x128xf32> to vector<512x128xf32>
    %swap3A_99 = arith.constant 0 : index
    %swap3A_100 = arith.constant 1536 : index
    %swap3A_101 = vector.load %arg6[%swap3A_99, %swap3A_100] : memref<512x1664xf32, #tpu.memory_space<vmem>>, vector<512x128xf32>
    tpu.vector_store %arg6[%swap3A_99, %swap3A_100], %get3A_98 {strides = array<i32>} : memref<512x1664xf32, #tpu.memory_space<vmem>>, vector<512x128xf32>,
    %get3A_102 = arith.constant 0 : index
    %get3A_103 = arith.constant 0 : index
    %get3A_104 = vector.load %arg6[%get3A_102, %get3A_103] : memref<512x1664xf32, #tpu.memory_space<vmem>>, vector<512x1664xf32>
    %get3A_105 = arith.constant 0 : index
    %get3A_106 = arith.constant 0 : index
    %get3A_107 = vector.load %arg3[%get3A_105, %get3A_106] : memref<768x1664xf32, #tpu.memory_space<vmem>>, vector<768x1664xf32>
    %dot_general3A = arith.constant dense<0.000000e+00> : vector<512x768xf32>
    %dot_general3A_108 = tpu.matmul %get3A_104, %get3A_107, %dot_general3A {dimension_numbers = #tpu.dot_dimension_numbers<[1], [1], [0], [0], [0, 0, 1, 0], [], []>, transpose_lhs_hint = false} : vector<512x1664xf32>, vector<768x1664xf32>, vector<512x768xf32> -> vector<512x768xf32>
    %get3A_109 = arith.constant 0 : index
    %get3A_110 = arith.constant 0 : index
    %get3A_111 = vector.load %arg1[%get3A_109, %get3A_110] : memref<512x768xf32, #tpu.memory_space<vmem>>, vector<512x768xf32>
    %swap3A_112 = arith.constant 0 : index
    %swap3A_113 = arith.constant 0 : index
    %swap3A_114 = vector.load %arg5[%swap3A_112, %swap3A_113] : memref<512x1536xf32, #tpu.memory_space<vmem>>, vector<512x768xf32>
    tpu.vector_store %arg5[%swap3A_112, %swap3A_113], %get3A_111 {strides = array<i32>} : memref<512x1536xf32, #tpu.memory_space<vmem>>, vector<512x768xf32>,
    %get3A_115 = arith.constant 0 : index
    %get3A_116 = arith.constant 0 : index
    %get3A_117 = vector.load %arg4[%get3A_115, %get3A_116] : memref<1x768xf32, #tpu.memory_space<vmem>>, vector<1x768xf32>
    %add3A = vector.broadcast %get3A_117 : vector<1x768xf32> to vector<512x768xf32>
    %add3A_118 = arith.addf %dot_general3A_108, %add3A : vector<512x768xf32>
    %swap3A_119 = arith.constant 0 : index
    %swap3A_120 = arith.constant 768 : index
    %swap3A_121 = vector.load %arg5[%swap3A_119, %swap3A_120] : memref<512x1536xf32, #tpu.memory_space<vmem>>, vector<512x768xf32>
    tpu.vector_store %arg5[%swap3A_119, %swap3A_120], %add3A_118 {strides = array<i32>} : memref<512x1536xf32, #tpu.memory_space<vmem>>, vector<512x768xf32>,
    return
  }
  func.func @transform_0(%arg0: i32) -> (i32, i32) {
    %c0_i32 = arith.constant 0 : i32
    %c0_i32_0 = arith.constant 0 : i32
    return %arg0, %c0_i32 : i32, i32
  }
  func.func @transform_1(%arg0: i32) -> (i32, i32, i32) {
    %c0_i32 = arith.constant 0 : i32
    %c0_i32_0 = arith.constant 0 : i32
    %c0_i32_1 = arith.constant 0 : i32
    return %c0_i32, %arg0, %c0_i32_0 : i32, i32, i32
  }
  func.func @transform_2(%arg0: i32) -> (i32, i32) {
    %c0_i32 = arith.constant 0 : i32
    %c0_i32_0 = arith.constant 0 : i32
    %c0_i32_1 = arith.constant 0 : i32
    return %c0_i32, %c0_i32_0 : i32, i32
  }
  func.func @transform_3(%arg0: i32) -> (i32, i32) {
    %c0_i32 = arith.constant 0 : i32
    %c0_i32_0 = arith.constant 0 : i32
    %c0_i32_1 = arith.constant 0 : i32
    return %c0_i32, %c0_i32_0 : i32, i32
  }
  func.func @transform_4(%arg0: i32) -> (i32, i32) {
    %c0_i32 = arith.constant 0 : i32
    %c0_i32_0 = arith.constant 0 : i32
    return %arg0, %c0_i32 : i32, i32
  }
}

</mosaic_0001>

<sc_bundles>
// kernel: kernel.4.cloned.1.call-start
scs
__scs_entry_jumppad:
0x0: {  	(pc) =	sbr.rel $0x88, $3  }
0x1: {  	(tag) =	ssettag $0x0;
	lr =	simm.s32 $0x1  }
0x2: {  	[smem:$0x3F9C] =	sst lr;
	_ =	strace $0xD0000000  }
0x3: {  	_ = 	snop  }
0x4: {  	_ = 	snop  }
0x5: {  	_ = 	snop  }
0x6: {  	_ = 	snop  }
0x7: {  	_ = 	snop  }
__scs_overlays_trampoline_lowered:
0x8: {  	[smem:$0x3FAB] =	sst s0  }
0x9: {  	[smem:$0x3FAC] =	sst s1  }
0xa: {  	[smem:$0x3FAD] =	sst s2  }
0xb: {  	[smem:$0x3FAE] =	sst s3  }
0xc: {  	[smem:$0x3FAF] =	sst s4  }
0xd: {  	[smem:$0x3FB0] =	sst s5  }
0xe: {  	[smem:$0x3FB1] =	sst s6  }
0xf: {  	[smem:$0x3FB2] =	sst s7  }
0x10: {  	[smem:$0x3FB3] =	sst s8  }
0x11: {  	[smem:$0x3FB4] =	sst s9;
	s0 =	simm.s32 @!p0 $0x0  }
0x12: {  	s1 =	sld [smem:$0x3F9A];
	s0 =	simm.s32 @p0 $0x1  }
0x13: {  	[smem:$0x3FB5] =	sst s0;
	s0 =	simm.s32 @!p1 $0x0  }
0x14: {  	s2 =	sld [smem:$0x3F99];
	s0 =	simm.s32 @p1 $0x1  }
0x15: {  	[smem:$0x3FB6] =	sst s0;
	s0 =	simm.s32 @!p2 $0x0  }
0x16: {  	s3 =	sld [smem:$0x3FDB];
	s0 =	simm.s32 @p2 $0x1  }
0x17: {  	s4 =	simm.s32 $0x1BF5;
	[smem:$0x3FB8] =	sst s0  }
0x18: {  	s0 =	sld [smem:$0x3F9B];
	_ =	swait.ge [sflag:s4], $0x0  }
0x19: {  	s7 =	sld [smem:$0x3F9C]  }
0x1a: {  	s8 =	sadd.s32 $0xFFFFE003, lr  }
0x1b: {  	s9 =	sadd.s32 $0xFFFFFEF7, lr;
	s5 =	simm.s32 $0xFFFFFFFF;
	p2 =	slt.u32 s8, $0xFFFFF086  }
0x1c: {  	p1 =	slt.u32 s9, $0xF7A;
	s5 =	simm.s32 @!p2 $0x0  }
0x1d: {  	s5 =	simm.s32 @p1 $0x1;
	p0 =	seq.s32 s7, s2  }
0x1e: {  	s7 =	smul.u32 @!p0 $0xF7A, s2;
	p2 =	seq.s32 @!p0 s5, $0x0  }
0x1f: {  	s9 =	smul.u32 $0xF7A, s1;
	s8 =	simm.s32 @!p0 $0x1BF5;
	p2 =	por !p2, p0  }
0x20: {  	[sflag:s8] =	ssyncset.s32 @!p0 $0xFFFFF086;
	s6 =	sadd.s32 @!p0 s3, s7;
	s7 =	simm.s32 @!p0 $0x108  }
0x21: {  	s3 =	sadd.s32 s3, s9;
	s6 =	sadd.s32 @!p0 $0x88, s6;
	s7 =	simm.s32 @p2 $0x1082  }
0x22: {  	[simem:s7], [sflag:s8] =	dma.local @!p0 [hbm:s6], $0xF7A  }
0x23: {  	s9 =	sor.u32 $0xD0000000, s2;
	s6 =	simm.s32 $0x108;
	_ =	swait.ge @!p0 [sflag:s8], $0x0  }
0x24: {  	s3 =	sadd.s32 $0x88, s3;
	s6 =	simm.s32 @!p1 $0x1082;
	[sflag:s4] =	ssyncset.s32 $0xFFFFF086  }
0x25: {  	[simem:s6], [sflag:s4] =	dma.local [hbm:s3], $0xF7A  }
0x26: {  	[smem:$0x3F9C] =	sst s1;
	(tag) =	ssettag s2;
	_ =	strace s9  }
0x27: {  	s1 =	sld [smem:$0x3FAC]  }
0x28: {  	s2 =	sld [smem:$0x3FAD]  }
0x29: {  	s4 =	sld [smem:$0x3FAF]  }
0x2a: {  	p0 =	seq.s32 s5, $0x0;
	s5 =	sld [smem:$0x3FB0]  }
0x2b: {  	s6 =	sld [smem:$0x3FB1]  }
0x2c: {  	s7 =	sld [smem:$0x3FB2]  }
0x2d: {  	s3 =	simm.s32 $0x108;
	s8 =	sld [smem:$0x3FB3]  }
0x2e: {  	s3 =	simm.s32 @!p0 $0x1082;
	s9 =	sld [smem:$0x3FB4]  }
0x2f: {  	lr =	sadd.s32 s0, s3;
	s0 =	sld [smem:$0x3FAB]  }
0x30: {  	s3 =	sld [smem:$0x3FAE]  }
0x31: {  	[smem:$0x3FB7] =	sst s10  }
0x32: {  	s10 =	sld [smem:$0x3FB5];
	_ =	sdelay $0x3  }
0x33: {  	p0 =	seq.s32 s10, $0x1;
	s10 =	sld [smem:$0x3FB7];
	_ =	sdelay $0x3  }
0x34: {  	[smem:$0x3FB7] =	sst s10  }
0x35: {  	s10 =	sld [smem:$0x3FB6];
	_ =	sdelay $0x3  }
0x36: {  	p1 =	seq.s32 s10, $0x1;
	s10 =	sld [smem:$0x3FB7];
	_ =	sdelay $0x3  }
0x37: {  	[smem:$0x3FB7] =	sst s10  }
0x38: {  	s10 =	sld [smem:$0x3FB8]  }
0x39: {  	_ = 	snop;
	(pc) =	sbr.ind lr, $3  }
0x3a: {  	_ = 	snop  }
0x3b: {  	_ = 	snop  }
0x3c: {  	p2 =	seq.s32 s10, $0x1;
	s10 =	sld [smem:$0x3FB7]  }
0x3d: {  	_ =	shalt  }
0x3e: {  	_ =	shalt  }
0x3f: {  	_ =	shalt  }
0x40: {  	_ =	shalt  }
0x41: {  	_ =	shalt  }
0x42: {  	_ =	shalt  }
0x43: {  	_ =	shalt  }
0x44: {  	_ =	shalt  }
0x45: {  	_ =	shalt  }
0x46: {  	_ =	shalt  }
0x47: {  	_ =	shalt  }
0x48: {  	_ =	shalt  }
0x49: {  	_ =	shalt  }
0x4a: {  	_ =	shalt  }
0x4b: {  	_ =	shalt  }
0x4c: {  	_ =	shalt  }
0x4d: {  	_ =	shalt  }
0x4e: {  	_ =	shalt  }
0x4f: {  	_ =	shalt  }
0x50: {  	_ =	shalt  }
0x51: {  	_ =	shalt  }
0x52: {  	_ =	shalt  }
0x53: {  	_ =	shalt  }
0x54: {  	_ =	shalt  }
0x55: {  	_ =	shalt  }
0x56: {  	_ =	shalt  }
0x57: {  	_ =	shalt  }
0x58: {  	_ =	shalt  }
0x59: {  	_ =	shalt  }
0x5a: {  	_ =	shalt  }
0x5b: {  	_ =	shalt  }
0x5c: {  	_ =	shalt  }
0x5d: {  	_ =	shalt  }
0x5e: {  	_ =	shalt  }
0x5f: {  	_ =	shalt  }
0x60: {  	_ =	shalt  }
0x61: {  	_ =	shalt  }
0x62: {  	_ =	shalt  }
0x63: {  	_ =	shalt  }
0x64: {  	_ =	shalt  }
0x65: {  	_ =	shalt  }
0x66: {  	_ =	shalt  }
0x67: {  	_ =	shalt  }
0x68: {  	_ =	shalt  }
0x69: {  	_ =	shalt  }
0x6a: {  	_ =	shalt  }
0x6b: {  	_ =	shalt  }
0x6c: {  	_ =	shalt  }
0x6d: {  	_ =	shalt  }
0x6e: {  	_ =	shalt  }
0x6f: {  	_ =	shalt  }
0x70: {  	_ =	shalt  }
0x71: {  	_ =	shalt  }
0x72: {  	_ =	shalt  }
0x73: {  	_ =	shalt  }
0x74: {  	_ =	shalt  }
0x75: {  	_ =	shalt  }
0x76: {  	_ =	shalt  }
0x77: {  	_ =	shalt  }
0x78: {  	_ =	shalt  }
0x79: {  	_ =	shalt  }
0x7a: {  	_ =	shalt  }
0x7b: {  	_ =	shalt  }
0x7c: {  	_ =	shalt  }
0x7d: {  	_ =	shalt  }
0x7e: {  	_ =	shalt  }
0x7f: {  	_ =	shalt  }
0x80: {  	_ =	shalt  }
0x81: {  	_ =	shalt  }
0x82: {  	_ =	shalt  }
0x83: {  	_ =	shalt  }
0x84: {  	_ =	shalt  }
0x85: {  	_ =	shalt  }
0x86: {  	_ =	shalt  }
0x87: {  	_ =	shalt  }
.Lfunc_end0:
.L_simem_size_0:
called_computation_lowered:
.L_overlay_start_0:
0x88: {  	s2 =	sld [smem:$0x3FD9]  }
0x89: {  	s3 =	sld [smem:$0x3FFE];
	_ =	sdelay $0x1  }
0x8a: {  	s1 =	srdreg.scid  }
0x8b: {  	s0 =	sand.u32 $0x1, s1  }
0x8c: {  	s17 =	sshll.u32 s0, $0xA;
	s2 =	sadd.s32 s3, s2  }
0x8d: {  	s2 =	sadd.s32 s2, s17  }
0x8e: {  	[smem:$0x3FC3] =	sst s2  }
0x8f: {  	_ = 	snop  }
0x90: {  	s2 =	sld [smem:$0x3FD0];
	(tm) =	ssettm $0x1  }
0x91: {  	s18 =	sld [smem:$0x3FFB];
	_ =	sdelay $0x3  }
0x92: {  	_ =	strace s18  }
0x93: {  	s3 =	sld [smem:$0x3FFC];
	_ =	sdelay $0x3  }
0x94: {  	_ =	strace s3  }
0x95: {  	s3 =	sld [smem:$0x3FFD];
	_ =	sdelay $0x3  }
0x96: {  	_ =	strace s3  }
0x97: {  	_ =	strace $0x8FFFFFFF  }
0x98: {  	s19 =	sld [smem:$0x3FDB];
	_ =	sdelay $0x1  }
0x99: {  	s4 =	simm.s32 $_scs_section_size  }
0x9a: {  	s5 =	simm.s32 $_size__tile_overlayer_lowered;
	s6 =	simm.s32 $_tile_overlayer_lowered  }
0x9b: {  	s22 =	simm.s32 $0x1BFF;
	s21 =	sshll.u32 s6, $0x1;
	s3 =	sadd.s32 s4, s19  }
0x9c: {  	s7 =	simm.s32 $0x0;
	s20 =	sshll.u32 s5, $0x1;
	s5 =	sadd.s32 s21, s3  }
0x9d: {  	[timem:s7], [sflag:s22] =	dma.local [hbm:s5], s20  }
0x9e: {  	_ =	swait.ge [sflag:s22], s20  }
0x9f: {  	s4 =	ssub.s32 $0x0, s20;
	[sflag:s22] =	ssyncset.done $0x0  }
0xa0: {  	[sflag:s22] =	ssyncadd.s32 s4;
	_ =	sdelay $0x1  }
0xa1: {  	s23 =	simm.s32 $0x1B8B  }
0xa2: {  	_ =	swait.ge [sflag:s23], $0x1  }
0xa3: {  	[sflag:s23] =	ssyncset.done $0x0  }
0xa4: {  	s25 =	simm.s32 $0x1B8E;
	s24 =	sld [smem:$0x3FFE];
	[sflag:s23] =	ssyncadd.s32 $0xFFFFFFFF  }
0xa5: {  	s26 =	simm.s32 $execute0_lowered;
	[smem:$0x3FD2] =	sst s25  }
0xa6: {  	s5 =	sshll.u32 s26, $0x1;
	_ =	strace $0x80000046;
	[dreg:$0x1] =	wrdreg $0xFFFFFFFF  }
0xa7: {  	s28 =	simm.s32 $_size_execute0_lowered;
	s3 =	sadd.s32 s3, s5;
	[dreg:$0x0] =	wrdreg $0x0  }
0xa8: {  	s5 =	sshll.u32 s28, $0x1;
	[dreg:$0x2] =	wrdreg s3  }
0xa9: {  	[dreg:$0x3] =	wrdreg s5  }
0xaa: {  	[dreg:$0x4] =	wrdreg $0xC0  }
0xab: {  	_ =	task [dreg:s7], $0x5FFFF  }
0xac: {  	[dreg:$0x1] =	wrdreg $0xFFFFFFFF  }
0xad: {  	[dreg:$0x0] =	wrdreg $0x60  }
0xae: {  	[dreg:$0x2] =	wrdreg s2  }
0xaf: {  	[dreg:$0x3] =	wrdreg s24  }
0xb0: {  	[dreg:$0x4] =	wrdreg $0x9  }
0xb1: {  	_ =	task.clear_ibuf [dreg:s7], $0x5FFFF;
	_ =	strace $0x90000046  }
0xb2: {  	s29 =	simm.s32 $0x9;
	_ =	strace $0x80000048  }
0xb3: {  	_ =	swait.ge [sflag:s29], $0x1  }
0xb4: {  	[sflag:s29] =	ssyncadd.s32 $0xFFFFFFFF  }
0xb5: {  	_ =	strace $0x90000048  }
0xb6: {  	_ =	sfence  }
0xb7: {  	s30 =	sld [smem:$0x0];
	_ =	sdelay $0x2  }
0xb8: {  	s31 =	sshll.u32 s1, $0xD;
	s1 =	sshrl.u32 s1, $0x2  }
0xb9: {  	s3 =	sand.u32 $0x4000, s31;
	s1 =	sadd.s32 s1, s30  }
0xba: {  	s0 =	sor.u32 s3, s0;
	s1 =	sshll.u32 s1, $0x11  }
0xbb: {  	s0 =	sor.u32 s1, s0  }
0xbc: {  	s0 =	sadd.s32 $0x8F2B, s0  }
0xbd: {  	[sflag:s0] =	ssyncadd.remote.s32 $0x1  }
0xbe: {  	_ =	sfence.sel $0xFFFF  }
0xbf: {  	[dreg:$0x0] =	wrdreg $0xFFFFFFFF;
	(pc) =	sbr.abs _section_cstart, $3  }
0xc0: {  	[dreg:$0x1] =	wrdreg $0xFFFFFFFF  }
0xc1: {  	_ =	task.clear_ibuf [dreg:s7], $0x2FFFF;
	_ =	strace $0x9FFFFFFF  }
0xc2: {  	(tm) =	ssettm $0x7FFFFFFF  }
0xc3: {  	_ =	shalt  }
tec
execute0_lowered:
.L_overlay_start_1:
0x0: {  	(tag) =	ssettag $0x1  }
0x1: {  	s4 =	rddreg [dreg:$0x0]  }
0x2: {  	s10 =	rddreg [dreg:$0x1]  }
0x3: {  	s0 =	rddreg [dreg:$0x2];
	s2 =	simm.s32 $0x0;
	s3 =	srdreg.scid  }
0x4: {  	s1 =	stileid.u32;
	s12 =	simm.s32 $0x4000;
	s13 =	simm.s32 $0x5  }
0x5: {  	s14 =	simm.s32 $0x3400;
	s15 =	simm.s32 $0xB400;
	s16 =	simm.s32 $0x1  }
0x6: {  	s17 =	simm.s32 $0x40;
	s18 =	simm.s32 $0x80;
	s19 =	simm.s32 $0x2  }
0x7: {  	s20 =	simm.s32 $0x3;
	s21 =	simm.s32 $0x4;
	s22 =	simm.s32 $0x0  }
0x8: {  	[smem:$0x7FF] =	sst s2;
	s8 =	sand.u32 $0x1, s3;
	s5 =	sshll.u32 s1, $0xA  }
0x9: {  	s3 =	sadd.s32 $0x27ACE00, s10;
	s9 =	sadd.s32 $0xA00, s10;
	s30 =	sshll.u32 s1, $0xE  }
0xa: {  	_ =	strace $0x80000047;
	s6 =	sshll.u32 s8, $0x9;
	s7 =	ssub.s32 $0x2, s8  }
0xb: {  	s31 =	sshll.u32 s8, $0xD;
	s5 =	sor.u32 s6, s5;
	s28 =	sshrl.u32 s7, $0x1  }
0xc: {  	s11 =	sshrl.u32 s5, $0x3;
	s6 =	ssub.s32 s7, s28;
	s29 =	sshll.u32 s5, $0x4  }
0xd: {  	s4 =	sadd.s32 s4, s11;
	s5 =	smax.u32 s6, $0x1;
	s6 =	sadd.s32 $0x2870300, s10  }
0xe: {  	s7 =	sadd.s32 s9, s29;
	s9 =	sadd.s32 s30, s9;
	s10 =	sadd.s32 $0x29F6D00, s10  }
0xf: {  	s11 =	simm.s32 $0x200;
	s8 =	sadd.s32 $0x8, s7;
	s9 =	sadd.s32 s31, s9  }
.LBB2_1:
0x10: {  	[tilespmem:s2], [sflag:$0x5] =	stream.strided.gather [hbm4b:s4+s11], $0x3400, s12, s11, $0x38;
	[tilespmem:$0x13400] =	vst v63  }
0x11: {  	_ =	swait.ge [sflag:s13], $0x3400  }
0x12: {  	[sflag:s13] =	ssyncset.done $0x0  }
0x13: {  	[sflag:s13] =	ssyncadd.s32 $0xFFFFCC00  }
0x14: {  	[tilespmem:s14], [sflag:$0x1] =	stream.indirect.gather [hbm4b:s3+s11], $0x40, s2, s11, $0xb8;
	[tilespmem:$0x13400] =	vst v63  }
0x15: {  	_ = 	snop  }
0x16: {  	[tilespmem:s15], [sflag:$0x2] =	stream.indirect.gather [hbm4b:s6+s11], $0x40, s11, s11, $0xb8;
	[tilespmem:$0x13400] =	vst v63  }
0x17: {  	_ =	swait.ge [sflag:s16], $0x8000  }
0x18: {  	[sflag:s16] =	ssyncset.done $0x0  }
0x19: {  	[sflag:s16] =	ssyncadd.s32 $0xFFFF8000  }
0x1a: {  	[hbm4b:s7+s17] =	stream.strided.scatter [tilespmem:s14], [sflag:$0x3], $0x8000, s18, s17, $0x38;
	[tilespmem:$0x13400] =	vst v63  }
0x1b: {  	_ =	swait.ge [sflag:s19], $0x8000  }
0x1c: {  	[sflag:s19] =	ssyncset.done $0x0  }
0x1d: {  	[sflag:s19] =	ssyncadd.s32 $0xFFFF8000  }
0x1e: {  	[hbm4b:s8+s17] =	stream.strided.scatter [tilespmem:s15], [sflag:$0x4], $0x8000, s18, s17, $0x38;
	[tilespmem:$0x13400] =	vst v63  }
0x1f: {  	_ =	swait.ge [sflag:s20], $0x8000  }
0x20: {  	[sflag:s20] =	ssyncset.done $0x0  }
0x21: {  	s23 =	simm.s32 $0x400;
	s24 =	sadd.s32 $0xFFF3CB00, s10;
	[sflag:s20] =	ssyncadd.s32 $0xFFFF8000  }
0x22: {  	[tilespmem:s14], [sflag:$0x1] =	stream.indirect.gather [hbm4b:s24+s11], $0x40, s23, s11, $0xb8;
	[tilespmem:$0x13400] =	vst v63  }
0x23: {  	_ =	swait.ge [sflag:s21], $0x8000  }
0x24: {  	[sflag:s21] =	ssyncset.done $0x0  }
0x25: {  	s30 =	simm.s32 $0x600;
	[sflag:s21] =	ssyncadd.s32 $0xFFFF8000  }
0x26: {  	[tilespmem:s15], [sflag:$0x2] =	stream.indirect.gather [hbm4b:s10+s11], $0x40, s30, s11, $0xb8;
	[tilespmem:$0x13400] =	vst v63  }
0x27: {  	_ =	swait.ge [sflag:s16], $0x8000  }
0x28: {  	s25 =	sadd.s32 $0x0, s9;
	[sflag:s16] =	ssyncset.done $0x0  }
0x29: {  	s31 =	sadd.s32 $0x40000, s25;
	[sflag:s16] =	ssyncadd.s32 $0xFFFF8000  }
0x2a: {  	[hbm4b:s31+s17] =	stream.strided.scatter [tilespmem:s14], [sflag:$0x3], $0x8000, s18, s17, $0x38;
	[tilespmem:$0x13400] =	vst v63  }
0x2b: {  	_ =	swait.ge [sflag:s19], $0x8000  }
0x2c: {  	s26 =	sadd.s32 $0x40008, s25;
	s25 =	simm.s32 $0x800;
	[sflag:s19] =	ssyncset.done $0x0  }
0x2d: {  	s23 =	simm.s32 $0x40000;
	s24 =	sadd.s32 $0x186A00, s10;
	[sflag:s19] =	ssyncadd.s32 $0xFFFF8000  }
.LBB2_2:
0x2e: {  	[hbm4b:s26+s17] =	stream.strided.scatter [tilespmem:s15], [sflag:$0x4], $0x8000, s18, s17, $0x38;
	[tilespmem:$0x13400] =	vst v63  }
0x2f: {  	s26 =	smov.u32 s23  }
0x30: {  	p0 =	sne.s32 s23, $0x2C0000;
	s23 =	sadd.s32 $0x40000, s23;
	_ =	swait.ge [sflag:s20], $0x8000  }
0x31: {  	[sflag:s20] =	ssyncset.done $0x0  }
0x32: {  	s28 =	sadd.s32 $0xFFF3CB00, s24;
	[sflag:s20] =	ssyncadd.s32 $0xFFFF8000  }
0x33: {  	[tilespmem:s14], [sflag:$0x1] =	stream.indirect.gather [hbm4b:s28+s11], $0x40, s25, s11, $0xb8;
	[tilespmem:$0x13400] =	vst v63  }
0x34: {  	_ =	swait.ge [sflag:s21], $0x8000  }
0x35: {  	[sflag:s21] =	ssyncset.done $0x0  }
0x36: {  	s28 =	sadd.s32 $0x200, s25;
	[sflag:s21] =	ssyncadd.s32 $0xFFFF8000  }
0x37: {  	[tilespmem:s15], [sflag:$0x2] =	stream.indirect.gather [hbm4b:s24+s11], $0x40, s28, s11, $0xb8;
	[tilespmem:$0x13400] =	vst v63  }
0x38: {  	_ =	swait.ge [sflag:s16], $0x8000  }
0x39: {  	s26 =	sadd.s32 s26, s9;
	[sflag:s16] =	ssyncset.done $0x0  }
.Ltmp0:
0x3a: {  	s28 =	sadd.s32 $0x40000, s26;
	[sflag:s16] =	ssyncadd.s32 $0xFFFF8000;
	(pc) =	sbr.rel @p0 .LBB2_2-.Ltmp0, $4  }
0x3b: {  	[hbm4b:s28+s17] =	stream.strided.scatter [tilespmem:s14], [sflag:$0x3], $0x8000, s18, s17, $0x38;
	[tilespmem:$0x13400] =	vst v63  }
0x3c: {  	_ =	swait.ge [sflag:s19], $0x8000  }
0x3d: {  	s24 =	sadd.s32 $0x186A00, s24;
	[sflag:s19] =	ssyncset.done $0x0  }
0x3e: {  	s25 =	sadd.s32 $0x400, s25;
	s26 =	sadd.s32 $0x40008, s26;
	[sflag:s19] =	ssyncadd.s32 $0xFFFF8000  }
0x3f: {  	[hbm4b:s26+s17] =	stream.strided.scatter [tilespmem:s15], [sflag:$0x4], $0x8000, s18, s17, $0x38;
	[tilespmem:$0x13400] =	vst v63  }
0x40: {  	s22 =	sadd.s32 $0x1, s22  }
0x41: {  	_ =	swait.ge [sflag:s20], $0x8000;
	p0 =	sne.s32 s22, s5  }
.Ltmp1:
0x42: {  	[sflag:s20] =	ssyncset.done $0x0;
	(pc) =	sbr.rel @p0 .LBB2_1-.Ltmp1, $4  }
0x43: {  	[sflag:s20] =	ssyncadd.s32 $0xFFFF8000  }
0x44: {  	_ =	swait.ge [sflag:s21], $0x8000  }
0x45: {  	[sflag:s21] =	ssyncset.done $0x0  }
0x46: {  	[sflag:s21] =	ssyncadd.s32 $0xFFFF8000  }
0x47: {  	_ =	sfence.sel $0x180000  }
0x48: {  	[bflag:$0x0] =	sbarrier.arrive $0xFFFF  }
0x49: {  	p0 =	sne.s32 s1, $0x0;
	_ =	strace $0x90000047  }
0x4a: {  	s0 =	sadd.s32 @!p0 $0x100000, s0;
	[bflag:$0x2] =	sbarrier.arrive $0xFFFF  }
0x4b: {  	[sflag:s0] =	ssyncadd.tile.s32 @!p0 $0x1;
	_ =	shalt  }
.Lfunc_end2:
_tile_overlayer_lowered:
.L_overlay_start_2:
0x4c: {  	(tag) =	ssettag $0x2  }
0x4d: {  	s0 =	rddreg [dreg:$0x0];
	s2 =	stileid.u32  }
0x4e: {  	s1 =	rddreg [dreg:$0x1];
	p0 =	sne.s32 s2, $0x0  }
0x4f: {  	s3 =	rddreg [dreg:$0x2];
	[bflag:$0x3] =	sbarrier.arrive $0xFFFF;
	s2 =	simm.s32 @!p0 $0x1C05  }
0x50: {  	[timem:s3], [sflag:s2] =	dma.local @!p0 [hbm:s0], s1  }
0x51: {  	s0 =	simm.s32 @!p0 $0x5  }
0x52: {  	_ =	swait.ge @!p0 [sflag:s0], s1  }
0x53: {  	s1 =	ssub.s32 @!p0 $0x0, s1;
	[sflag:s0] =	ssyncset.done @!p0 $0x0  }
0x54: {  	[sflag:s0] =	ssyncadd.s32 @!p0 s1  }
0x55: {  	[bflag:$0x3] =	sbarrier.arrive $0xFFFF  }
0x56: {  	_ =	shalt  }

</sc_bundles>
